<compile_context>
chip_gen: v7x
topology: tpu7x:2x2x1
jax: 0.10.2.dev20260603
libtpu: 0.0.44.dev20260713+nightly
codegen_flags: <defaults>
</compile_context>

<pallas_src>
import functools

import jax
import jax.numpy as jnp
from jax import lax
from jax.experimental import pallas as pl
from jax.experimental.pallas import tpu as pltpu
from jax.experimental.pallas import tpu_sc as plsc

L = 200
WORD_DIM = 64
POS_DIM = 64
HIDDEN = WORD_DIM + POS_DIM
ROWS_PER_WORKER = 8
NUM_CHUNKS = L // ROWS_PER_WORKER
LANE_TILE = 128

_info = plsc.get_sparse_core_info()
_NC = _info.num_cores
_NLANES = _info.num_lanes


def _make_gather():
    mesh = plsc.VectorSubcoreMesh(core_axis_name="c", subcore_axis_name="s")

    @functools.partial(
        pl.kernel,
        mesh=mesh,
        out_type=jax.ShapeDtypeStruct(
            (NUM_CHUNKS, ROWS_PER_WORKER, WORD_DIM, LANE_TILE), jnp.float32
        ),
        scratch_types=[
            pltpu.VMEM((_NLANES,), jnp.int32),
            pltpu.SemaphoreType.DMA,
        ],
    )
    def gather(idx_hbm, table_t_hbm, out_hbm, idx_v, sem):
        wid = lax.axis_index("s") + _info.num_subcores * lax.axis_index("c")

        @pl.when(wid < NUM_CHUNKS)
        def _():
            base = wid * ROWS_PER_WORKER
            pltpu.sync_copy(
                idx_hbm.at[pl.ds(base, ROWS_PER_WORKER)],
                idx_v.at[pl.ds(0, ROWS_PER_WORKER)],
            )
            idx_vec = idx_v[...]
            copies = []
            for r in range(ROWS_PER_WORKER):
                col = idx_vec[r]
                col_al = pl.multiple_of(
                    (col // LANE_TILE) * LANE_TILE, LANE_TILE
                )
                copies.append(
                    pltpu.make_async_copy(
                        table_t_hbm.at[:, pl.ds(col_al, LANE_TILE)],
                        out_hbm.at[wid, r],
                        sem,
                    )
                )
            for c in copies:
                c.start()
            for c in copies:
                c.wait()

    return gather


_gather = _make_gather()


def _assemble_body(win_ref, idx_ref, pos_ref, out_ref, hid_ref):
    off = idx_ref[...] % LANE_TILE
    onehot = (
        lax.broadcasted_iota(jnp.int32, (L, LANE_TILE), 1) == off
    ).astype(jnp.float32)
    word = jnp.sum(win_ref[...] * onehot[:, None, :], axis=-1)
    rows = jnp.concatenate([word, pos_ref[...]], axis=1)
    out_ref[...] = rows
    hid_ref[...] = jnp.mean(rows, axis=0).reshape(1, 1, HIDDEN)


_assemble = pl.pallas_call(
    _assemble_body,
    out_shape=(
        jax.ShapeDtypeStruct((L, HIDDEN), jnp.float32),
        jax.ShapeDtypeStruct((1, 1, HIDDEN), jnp.float32),
    ),
)


@jax.jit
def kernel(input, W_word, W_pos):
    idx = input.astype(jnp.int32)
    windows = _gather(idx, W_word.T).reshape(L, WORD_DIM, LANE_TILE)
    return _assemble(windows, idx.reshape(L, 1), W_pos)

# --- scband reference (transcript-rebuilt; emitter-appended) ---
"""Pipeline reference for scband-positional-encoder-43447889166570 (READ-ONLY COPY).

The authoritative reference and input builder live on the scoring server;
editing this copy changes nothing except your own understanding.
"""

import jax, jax.numpy as jnp
import numpy as np

VOCAB = 1000000
WORD_DIM = 64
POS_DIM = 64
MAX_LEN = 200
HIDDEN = WORD_DIM + POS_DIM


def setup_inputs(seed: int = 0) -> dict:
    key = jax.random.key(seed)
    k1, k2, k3 = jax.random.split(key, 3)
    inp = jax.random.randint(k1, (MAX_LEN,), 0, VOCAB)
    W_word = jax.random.normal(k2, (VOCAB, WORD_DIM), dtype=jnp.float32) * 0.02
    W_pos = jax.random.normal(k3, (MAX_LEN, POS_DIM), dtype=jnp.float32) * 0.02
    return {"input": inp, "W_word": W_word, "W_pos": W_pos}


def reference(input, W_word, W_pos):
    # Vectorized translation of the per-token loop:
    #   output[n] = cat(word_embedding(input[n]), pos_embedding(n))
    L = input.shape[0]
    word_emb = jnp.take(W_word, input, axis=0)            # [L, WORD_DIM] gather
    pos_emb = jnp.take(W_pos, jnp.arange(L), axis=0)      # [L, POS_DIM] gather
    rows = jnp.concatenate([word_emb, pos_emb], axis=1)   # [L, HIDDEN]
    output = jnp.zeros((MAX_LEN, HIDDEN), dtype=jnp.float32).at[:L].set(rows)
    hidden = output[:L].mean(axis=0).reshape(1, 1, -1)
    return (output, hidden)

if __name__ == "__main__":
    import jax
    _d = setup_inputs()
    print(jax.jit(kernel)(*tuple(_d.values())))

</pallas_src>

<mosaic_0001>
#map = affine_map<(d0, d1) -> (0)>
#map1 = affine_map<(d0, d1) -> (0, 0)>
#map2 = affine_map<(d0, d1) -> (0, 0, 0, 0)>
module attributes {stable_mosaic.version = 14 : i64} {
  func.func @gather(%arg0: i32, %arg1: i32, %arg2: memref<200xi32, #tpu.memory_space<hbm>>, %arg3: memref<64x1000000xf32, #tpu.memory_space<hbm>>, %arg4: memref<25x8x64x128xf32, #tpu.memory_space<hbm>>, %arg5: memref<16xi32, #tpu.memory_space<vmem>>, %arg6: memref<!tpu.dma_semaphore, #tpu.memory_space<semaphore_mem>>) attributes {dimension_semantics = [#tpu.dimension_semantics<core_parallel>, #tpu.dimension_semantics<subcore_parallel>], iteration_bounds = array<i64: 2, 16>, scalar_prefetch = 0 : i64, scratch_operands = 2 : i64, tpu.core_type = #tpu.core_type<sc_vector_subcore>, window_params = [{transform_indices = #map}, {transform_indices = #map1}, {transform_indices = #map2}]} {
    %mul3A = arith.constant 16 : i32
    %mul3A_0 = arith.muli %mul3A, %arg0 : i32
    %add3A = arith.addi %arg1, %mul3A_0 : i32
    %lt3A = arith.constant 25 : i32
    %lt3A_1 = arith.cmpi slt, %add3A, %lt3A : i32
    %convert_element_type3A = arith.extui %lt3A_1 : i1 to i32
    %cond3A = arith.constant 0 : i32
    %cond3A_2 = arith.cmpi ne, %convert_element_type3A, %cond3A : i32
    scf.if %cond3A_2 {
      %mul3A_3 = arith.constant 8 : i32
      %mul3A_4 = arith.muli %add3A, %mul3A_3 : i32
      "tpu.region"() ({
        %run_scoped3A = tpu.sem_alloc : memref<!tpu.dma_semaphore, #tpu.memory_space<semaphore_mem>>
        %dma_start3A_338 = arith.constant 0 : i32
        %dma_start3A_339 = tpu.memref_slice %arg5[%dma_start3A_338] : memref<16xi32, #tpu.memory_space<vmem>> -> memref<8xi32, #tpu.memory_space<vmem>>
        %dma_start3A_340 = tpu.memref_slice %arg2[%mul3A_4] : memref<200xi32, #tpu.memory_space<hbm>> -> memref<8xi32, #tpu.memory_space<hbm>>
        %dma_start3A_341 = arith.constant 0 : i32
        %dma_start3A_342 = tpu.memref_slice %arg5[%dma_start3A_341] : memref<16xi32, #tpu.memory_space<vmem>> -> memref<8xi32, #tpu.memory_space<vmem>>
        %dma_start3A_343 = tpu.memref_slice %arg2[%mul3A_4] : memref<200xi32, #tpu.memory_space<hbm>> -> memref<8xi32, #tpu.memory_space<hbm>>
        tpu.enqueue_dma source(%dma_start3A_343 : memref<8xi32, #tpu.memory_space<hbm>>) target(%dma_start3A_342 : memref<8xi32, #tpu.memory_space<vmem>>) target_semaphore(%run_scoped3A : memref<!tpu.dma_semaphore, #tpu.memory_space<semaphore_mem>>)
        %dma_wait3A_344 = arith.constant 0 : i32
        %dma_wait3A_345 = tpu.memref_slice %arg5[%dma_wait3A_344] : memref<16xi32, #tpu.memory_space<vmem>> -> memref<8xi32, #tpu.memory_space<vmem>>
        %dma_wait3A_346 = tpu.memref_slice %arg2[%mul3A_4] : memref<200xi32, #tpu.memory_space<hbm>> -> memref<8xi32, #tpu.memory_space<hbm>>
        %dma_wait3A_347 = arith.constant 0 : i32
        %dma_wait3A_348 = tpu.memref_slice %arg5[%dma_wait3A_347] : memref<16xi32, #tpu.memory_space<vmem>> -> memref<8xi32, #tpu.memory_space<vmem>>
        %dma_wait3A_349 = tpu.memref_slice %arg2[%mul3A_4] : memref<200xi32, #tpu.memory_space<hbm>> -> memref<8xi32, #tpu.memory_space<hbm>>
        tpu.wait_dma2 semaphore(%run_scoped3A : memref<!tpu.dma_semaphore, #tpu.memory_space<semaphore_mem>>) src(%dma_wait3A_349 : memref<8xi32, #tpu.memory_space<hbm>>) dst(%dma_wait3A_348 : memref<8xi32, #tpu.memory_space<vmem>>)
        tpu.yield
      }) : () -> ()
      %get3A = arith.constant 0 : index
      %get3A_5 = tpu.vector_load %arg5[%get3A] {strides = array<i32>} : memref<16xi32, #tpu.memory_space<vmem>>, vector<16xi32>,
      %get3A_6 = vector.shape_cast %get3A_5 : vector<16xi32> to vector<16xi32>
      %slice3A = vector.extract_strided_slice %get3A_6 {offsets = [0], sizes = [1], strides = [1]} : vector<16xi32> to vector<1xi32>
      %squeeze3A = vector.extract %slice3A[0] : i32 from vector<1xi32>
      %jit3A = arith.constant 128 : i32
      %div3A = arith.divsi %squeeze3A, %jit3A : i32
      %sign3A = arith.constant 0 : i32
      %sign3A_7 = arith.cmpi sgt, %squeeze3A, %sign3A : i32
      %sign3A_8 = arith.extui %sign3A_7 : i1 to i32
      %sign3A_9 = arith.constant 0 : i32
      %sign3A_10 = arith.cmpi slt, %squeeze3A, %sign3A_9 : i32
      %sign3A_11 = arith.extui %sign3A_10 : i1 to i32
      %sign3A_12 = arith.subi %sign3A_8, %sign3A_11 : i32
      %sign3A_13 = arith.constant 0 : i32
      %sign3A_14 = arith.cmpi sgt, %jit3A, %sign3A_13 : i32
      %sign3A_15 = arith.extui %sign3A_14 : i1 to i32
      %sign3A_16 = arith.constant 0 : i32
      %sign3A_17 = arith.cmpi slt, %jit3A, %sign3A_16 : i32
      %sign3A_18 = arith.extui %sign3A_17 : i1 to i32
      %sign3A_19 = arith.subi %sign3A_15, %sign3A_18 : i32
      %ne3A = arith.cmpi ne, %sign3A_12, %sign3A_19 : i32
      %rem3A = arith.remsi %squeeze3A, %jit3A : i32
      %ne3A_20 = arith.constant 0 : i32
      %ne3A_21 = arith.cmpi ne, %rem3A, %ne3A_20 : i32
      %and3A = arith.andi %ne3A, %ne3A_21 : i1
      %sub3A = arith.constant 1 : i32
      %sub3A_22 = arith.subi %div3A, %sub3A : i32
      %select_n3A = arith.select %and3A, %sub3A_22, %div3A : i32
      %mul3A_23 = arith.constant 128 : i32
      %mul3A_24 = arith.muli %select_n3A, %mul3A_23 : i32
      %multiple_of3A = tpu.assume_multiple %mul3A_24, 128 : i32
      %slice3A_25 = vector.extract_strided_slice %get3A_6 {offsets = [1], sizes = [1], strides = [1]} : vector<16xi32> to vector<1xi32>
      %squeeze3A_26 = vector.extract %slice3A_25[0] : i32 from vector<1xi32>
      %jit3A_27 = arith.constant 128 : i32
      %div3A_28 = arith.divsi %squeeze3A_26, %jit3A_27 : i32
      %sign3A_29 = arith.constant 0 : i32
      %sign3A_30 = arith.cmpi sgt, %squeeze3A_26, %sign3A_29 : i32
      %sign3A_31 = arith.extui %sign3A_30 : i1 to i32
      %sign3A_32 = arith.constant 0 : i32
      %sign3A_33 = arith.cmpi slt, %squeeze3A_26, %sign3A_32 : i32
      %sign3A_34 = arith.extui %sign3A_33 : i1 to i32
      %sign3A_35 = arith.subi %sign3A_31, %sign3A_34 : i32
      %sign3A_36 = arith.constant 0 : i32
      %sign3A_37 = arith.cmpi sgt, %jit3A_27, %sign3A_36 : i32
      %sign3A_38 = arith.extui %sign3A_37 : i1 to i32
      %sign3A_39 = arith.constant 0 : i32
      %sign3A_40 = arith.cmpi slt, %jit3A_27, %sign3A_39 : i32
      %sign3A_41 = arith.extui %sign3A_40 : i1 to i32
      %sign3A_42 = arith.subi %sign3A_38, %sign3A_41 : i32
      %ne3A_43 = arith.cmpi ne, %sign3A_35, %sign3A_42 : i32
      %rem3A_44 = arith.remsi %squeeze3A_26, %jit3A_27 : i32
      %ne3A_45 = arith.constant 0 : i32
      %ne3A_46 = arith.cmpi ne, %rem3A_44, %ne3A_45 : i32
      %and3A_47 = arith.andi %ne3A_43, %ne3A_46 : i1
      %sub3A_48 = arith.constant 1 : i32
      %sub3A_49 = arith.subi %div3A_28, %sub3A_48 : i32
      %select_n3A_50 = arith.select %and3A_47, %sub3A_49, %div3A_28 : i32
      %mul3A_51 = arith.constant 128 : i32
      %mul3A_52 = arith.muli %select_n3A_50, %mul3A_51 : i32
      %multiple_of3A_53 = tpu.assume_multiple %mul3A_52, 128 : i32
      %slice3A_54 = vector.extract_strided_slice %get3A_6 {offsets = [2], sizes = [1], strides = [1]} : vector<16xi32> to vector<1xi32>
      %squeeze3A_55 = vector.extract %slice3A_54[0] : i32 from vector<1xi32>
      %jit3A_56 = arith.constant 128 : i32
      %div3A_57 = arith.divsi %squeeze3A_55, %jit3A_56 : i32
      %sign3A_58 = arith.constant 0 : i32
      %sign3A_59 = arith.cmpi sgt, %squeeze3A_55, %sign3A_58 : i32
      %sign3A_60 = arith.extui %sign3A_59 : i1 to i32
      %sign3A_61 = arith.constant 0 : i32
      %sign3A_62 = arith.cmpi slt, %squeeze3A_55, %sign3A_61 : i32
      %sign3A_63 = arith.extui %sign3A_62 : i1 to i32
      %sign3A_64 = arith.subi %sign3A_60, %sign3A_63 : i32
      %sign3A_65 = arith.constant 0 : i32
      %sign3A_66 = arith.cmpi sgt, %jit3A_56, %sign3A_65 : i32
      %sign3A_67 = arith.extui %sign3A_66 : i1 to i32
      %sign3A_68 = arith.constant 0 : i32
      %sign3A_69 = arith.cmpi slt, %jit3A_56, %sign3A_68 : i32
      %sign3A_70 = arith.extui %sign3A_69 : i1 to i32
      %sign3A_71 = arith.subi %sign3A_67, %sign3A_70 : i32
      %ne3A_72 = arith.cmpi ne, %sign3A_64, %sign3A_71 : i32
      %rem3A_73 = arith.remsi %squeeze3A_55, %jit3A_56 : i32
      %ne3A_74 = arith.constant 0 : i32
      %ne3A_75 = arith.cmpi ne, %rem3A_73, %ne3A_74 : i32
      %and3A_76 = arith.andi %ne3A_72, %ne3A_75 : i1
      %sub3A_77 = arith.constant 1 : i32
      %sub3A_78 = arith.subi %div3A_57, %sub3A_77 : i32
      %select_n3A_79 = arith.select %and3A_76, %sub3A_78, %div3A_57 : i32
      %mul3A_80 = arith.constant 128 : i32
      %mul3A_81 = arith.muli %select_n3A_79, %mul3A_80 : i32
      %multiple_of3A_82 = tpu.assume_multiple %mul3A_81, 128 : i32
      %slice3A_83 = vector.extract_strided_slice %get3A_6 {offsets = [3], sizes = [1], strides = [1]} : vector<16xi32> to vector<1xi32>
      %squeeze3A_84 = vector.extract %slice3A_83[0] : i32 from vector<1xi32>
      %jit3A_85 = arith.constant 128 : i32
      %div3A_86 = arith.divsi %squeeze3A_84, %jit3A_85 : i32
      %sign3A_87 = arith.constant 0 : i32
      %sign3A_88 = arith.cmpi sgt, %squeeze3A_84, %sign3A_87 : i32
      %sign3A_89 = arith.extui %sign3A_88 : i1 to i32
      %sign3A_90 = arith.constant 0 : i32
      %sign3A_91 = arith.cmpi slt, %squeeze3A_84, %sign3A_90 : i32
      %sign3A_92 = arith.extui %sign3A_91 : i1 to i32
      %sign3A_93 = arith.subi %sign3A_89, %sign3A_92 : i32
      %sign3A_94 = arith.constant 0 : i32
      %sign3A_95 = arith.cmpi sgt, %jit3A_85, %sign3A_94 : i32
      %sign3A_96 = arith.extui %sign3A_95 : i1 to i32
      %sign3A_97 = arith.constant 0 : i32
      %sign3A_98 = arith.cmpi slt, %jit3A_85, %sign3A_97 : i32
      %sign3A_99 = arith.extui %sign3A_98 : i1 to i32
      %sign3A_100 = arith.subi %sign3A_96, %sign3A_99 : i32
      %ne3A_101 = arith.cmpi ne, %sign3A_93, %sign3A_100 : i32
      %rem3A_102 = arith.remsi %squeeze3A_84, %jit3A_85 : i32
      %ne3A_103 = arith.constant 0 : i32
      %ne3A_104 = arith.cmpi ne, %rem3A_102, %ne3A_103 : i32
      %and3A_105 = arith.andi %ne3A_101, %ne3A_104 : i1
      %sub3A_106 = arith.constant 1 : i32
      %sub3A_107 = arith.subi %div3A_86, %sub3A_106 : i32
      %select_n3A_108 = arith.select %and3A_105, %sub3A_107, %div3A_86 : i32
      %mul3A_109 = arith.constant 128 : i32
      %mul3A_110 = arith.muli %select_n3A_108, %mul3A_109 : i32
      %multiple_of3A_111 = tpu.assume_multiple %mul3A_110, 128 : i32
      %slice3A_112 = vector.extract_strided_slice %get3A_6 {offsets = [4], sizes = [1], strides = [1]} : vector<16xi32> to vector<1xi32>
      %squeeze3A_113 = vector.extract %slice3A_112[0] : i32 from vector<1xi32>
      %jit3A_114 = arith.constant 128 : i32
      %div3A_115 = arith.divsi %squeeze3A_113, %jit3A_114 : i32
      %sign3A_116 = arith.constant 0 : i32
      %sign3A_117 = arith.cmpi sgt, %squeeze3A_113, %sign3A_116 : i32
      %sign3A_118 = arith.extui %sign3A_117 : i1 to i32
      %sign3A_119 = arith.constant 0 : i32
      %sign3A_120 = arith.cmpi slt, %squeeze3A_113, %sign3A_119 : i32
      %sign3A_121 = arith.extui %sign3A_120 : i1 to i32
      %sign3A_122 = arith.subi %sign3A_118, %sign3A_121 : i32
      %sign3A_123 = arith.constant 0 : i32
      %sign3A_124 = arith.cmpi sgt, %jit3A_114, %sign3A_123 : i32
      %sign3A_125 = arith.extui %sign3A_124 : i1 to i32
      %sign3A_126 = arith.constant 0 : i32
      %sign3A_127 = arith.cmpi slt, %jit3A_114, %sign3A_126 : i32
      %sign3A_128 = arith.extui %sign3A_127 : i1 to i32
      %sign3A_129 = arith.subi %sign3A_125, %sign3A_128 : i32
      %ne3A_130 = arith.cmpi ne, %sign3A_122, %sign3A_129 : i32
      %rem3A_131 = arith.remsi %squeeze3A_113, %jit3A_114 : i32
      %ne3A_132 = arith.constant 0 : i32
      %ne3A_133 = arith.cmpi ne, %rem3A_131, %ne3A_132 : i32
      %and3A_134 = arith.andi %ne3A_130, %ne3A_133 : i1
      %sub3A_135 = arith.constant 1 : i32
      %sub3A_136 = arith.subi %div3A_115, %sub3A_135 : i32
      %select_n3A_137 = arith.select %and3A_134, %sub3A_136, %div3A_115 : i32
      %mul3A_138 = arith.constant 128 : i32
      %mul3A_139 = arith.muli %select_n3A_137, %mul3A_138 : i32
      %multiple_of3A_140 = tpu.assume_multiple %mul3A_139, 128 : i32
      %slice3A_141 = vector.extract_strided_slice %get3A_6 {offsets = [5], sizes = [1], strides = [1]} : vector<16xi32> to vector<1xi32>
      %squeeze3A_142 = vector.extract %slice3A_141[0] : i32 from vector<1xi32>
      %jit3A_143 = arith.constant 128 : i32
      %div3A_144 = arith.divsi %squeeze3A_142, %jit3A_143 : i32
      %sign3A_145 = arith.constant 0 : i32
      %sign3A_146 = arith.cmpi sgt, %squeeze3A_142, %sign3A_145 : i32
      %sign3A_147 = arith.extui %sign3A_146 : i1 to i32
      %sign3A_148 = arith.constant 0 : i32
      %sign3A_149 = arith.cmpi slt, %squeeze3A_142, %sign3A_148 : i32
      %sign3A_150 = arith.extui %sign3A_149 : i1 to i32
      %sign3A_151 = arith.subi %sign3A_147, %sign3A_150 : i32
      %sign3A_152 = arith.constant 0 : i32
      %sign3A_153 = arith.cmpi sgt, %jit3A_143, %sign3A_152 : i32
      %sign3A_154 = arith.extui %sign3A_153 : i1 to i32
      %sign3A_155 = arith.constant 0 : i32
      %sign3A_156 = arith.cmpi slt, %jit3A_143, %sign3A_155 : i32
      %sign3A_157 = arith.extui %sign3A_156 : i1 to i32
      %sign3A_158 = arith.subi %sign3A_154, %sign3A_157 : i32
      %ne3A_159 = arith.cmpi ne, %sign3A_151, %sign3A_158 : i32
      %rem3A_160 = arith.remsi %squeeze3A_142, %jit3A_143 : i32
      %ne3A_161 = arith.constant 0 : i32
      %ne3A_162 = arith.cmpi ne, %rem3A_160, %ne3A_161 : i32
      %and3A_163 = arith.andi %ne3A_159, %ne3A_162 : i1
      %sub3A_164 = arith.constant 1 : i32
      %sub3A_165 = arith.subi %div3A_144, %sub3A_164 : i32
      %select_n3A_166 = arith.select %and3A_163, %sub3A_165, %div3A_144 : i32
      %mul3A_167 = arith.constant 128 : i32
      %mul3A_168 = arith.muli %select_n3A_166, %mul3A_167 : i32
      %multiple_of3A_169 = tpu.assume_multiple %mul3A_168, 128 : i32
      %slice3A_170 = vector.extract_strided_slice %get3A_6 {offsets = [6], sizes = [1], strides = [1]} : vector<16xi32> to vector<1xi32>
      %squeeze3A_171 = vector.extract %slice3A_170[0] : i32 from vector<1xi32>
      %jit3A_172 = arith.constant 128 : i32
      %div3A_173 = arith.divsi %squeeze3A_171, %jit3A_172 : i32
      %sign3A_174 = arith.constant 0 : i32
      %sign3A_175 = arith.cmpi sgt, %squeeze3A_171, %sign3A_174 : i32
      %sign3A_176 = arith.extui %sign3A_175 : i1 to i32
      %sign3A_177 = arith.constant 0 : i32
      %sign3A_178 = arith.cmpi slt, %squeeze3A_171, %sign3A_177 : i32
      %sign3A_179 = arith.extui %sign3A_178 : i1 to i32
      %sign3A_180 = arith.subi %sign3A_176, %sign3A_179 : i32
      %sign3A_181 = arith.constant 0 : i32
      %sign3A_182 = arith.cmpi sgt, %jit3A_172, %sign3A_181 : i32
      %sign3A_183 = arith.extui %sign3A_182 : i1 to i32
      %sign3A_184 = arith.constant 0 : i32
      %sign3A_185 = arith.cmpi slt, %jit3A_172, %sign3A_184 : i32
      %sign3A_186 = arith.extui %sign3A_185 : i1 to i32
      %sign3A_187 = arith.subi %sign3A_183, %sign3A_186 : i32
      %ne3A_188 = arith.cmpi ne, %sign3A_180, %sign3A_187 : i32
      %rem3A_189 = arith.remsi %squeeze3A_171, %jit3A_172 : i32
      %ne3A_190 = arith.constant 0 : i32
      %ne3A_191 = arith.cmpi ne, %rem3A_189, %ne3A_190 : i32
      %and3A_192 = arith.andi %ne3A_188, %ne3A_191 : i1
      %sub3A_193 = arith.constant 1 : i32
      %sub3A_194 = arith.subi %div3A_173, %sub3A_193 : i32
      %select_n3A_195 = arith.select %and3A_192, %sub3A_194, %div3A_173 : i32
      %mul3A_196 = arith.constant 128 : i32
      %mul3A_197 = arith.muli %select_n3A_195, %mul3A_196 : i32
      %multiple_of3A_198 = tpu.assume_multiple %mul3A_197, 128 : i32
      %slice3A_199 = vector.extract_strided_slice %get3A_6 {offsets = [7], sizes = [1], strides = [1]} : vector<16xi32> to vector<1xi32>
      %squeeze3A_200 = vector.extract %slice3A_199[0] : i32 from vector<1xi32>
      %jit3A_201 = arith.constant 128 : i32
      %div3A_202 = arith.divsi %squeeze3A_200, %jit3A_201 : i32
      %sign3A_203 = arith.constant 0 : i32
      %sign3A_204 = arith.cmpi sgt, %squeeze3A_200, %sign3A_203 : i32
      %sign3A_205 = arith.extui %sign3A_204 : i1 to i32
      %sign3A_206 = arith.constant 0 : i32
      %sign3A_207 = arith.cmpi slt, %squeeze3A_200, %sign3A_206 : i32
      %sign3A_208 = arith.extui %sign3A_207 : i1 to i32
      %sign3A_209 = arith.subi %sign3A_205, %sign3A_208 : i32
      %sign3A_210 = arith.constant 0 : i32
      %sign3A_211 = arith.cmpi sgt, %jit3A_201, %sign3A_210 : i32
      %sign3A_212 = arith.extui %sign3A_211 : i1 to i32
      %sign3A_213 = arith.constant 0 : i32
      %sign3A_214 = arith.cmpi slt, %jit3A_201, %sign3A_213 : i32
      %sign3A_215 = arith.extui %sign3A_214 : i1 to i32
      %sign3A_216 = arith.subi %sign3A_212, %sign3A_215 : i32
      %ne3A_217 = arith.cmpi ne, %sign3A_209, %sign3A_216 : i32
      %rem3A_218 = arith.remsi %squeeze3A_200, %jit3A_201 : i32
      %ne3A_219 = arith.constant 0 : i32
      %ne3A_220 = arith.cmpi ne, %rem3A_218, %ne3A_219 : i32
      %and3A_221 = arith.andi %ne3A_217, %ne3A_220 : i1
      %sub3A_222 = arith.constant 1 : i32
      %sub3A_223 = arith.subi %div3A_202, %sub3A_222 : i32
      %select_n3A_224 = arith.select %and3A_221, %sub3A_223, %div3A_202 : i32
      %mul3A_225 = arith.constant 128 : i32
      %mul3A_226 = arith.muli %select_n3A_224, %mul3A_225 : i32
      %multiple_of3A_227 = tpu.assume_multiple %mul3A_226, 128 : i32
      %dma_start3A = arith.constant 0 : i32
      %dma_start3A_228 = arith.constant 0 : i32
      %dma_start3A_229 = arith.constant 0 : i32
      %dma_start3A_230 = tpu.memref_slice %arg4[%add3A, %dma_start3A, %dma_start3A_228, %dma_start3A_229] : memref<25x8x64x128xf32, #tpu.memory_space<hbm>> -> memref<1x1x64x128xf32, #tpu.memory_space<hbm>>
      %dma_start3A_231 = tpu.memref_squeeze %dma_start3A_230 : memref<1x1x64x128xf32, #tpu.memory_space<hbm>> -> memref<64x128xf32, #tpu.memory_space<hbm>>
      %dma_start3A_232 = arith.constant 0 : i32
      %dma_start3A_233 = tpu.memref_slice %arg3[%dma_start3A_232, %multiple_of3A] : memref<64x1000000xf32, #tpu.memory_space<hbm>> -> memref<64x128xf32, #tpu.memory_space<hbm>>
      tpu.enqueue_dma source(%dma_start3A_233 : memref<64x128xf32, #tpu.memory_space<hbm>>) target(%dma_start3A_231 : memref<64x128xf32, #tpu.memory_space<hbm>>) target_semaphore(%arg6 : memref<!tpu.dma_semaphore, #tpu.memory_space<semaphore_mem>>)
      %dma_start3A_234 = arith.constant 1 : i32
      %dma_start3A_235 = arith.constant 0 : i32
      %dma_start3A_236 = arith.constant 0 : i32
      %dma_start3A_237 = tpu.memref_slice %arg4[%add3A, %dma_start3A_234, %dma_start3A_235, %dma_start3A_236] : memref<25x8x64x128xf32, #tpu.memory_space<hbm>> -> memref<1x1x64x128xf32, #tpu.memory_space<hbm>>
      %dma_start3A_238 = tpu.memref_squeeze %dma_start3A_237 : memref<1x1x64x128xf32, #tpu.memory_space<hbm>> -> memref<64x128xf32, #tpu.memory_space<hbm>>
      %dma_start3A_239 = arith.constant 0 : i32
      %dma_start3A_240 = tpu.memref_slice %arg3[%dma_start3A_239, %multiple_of3A_53] : memref<64x1000000xf32, #tpu.memory_space<hbm>> -> memref<64x128xf32, #tpu.memory_space<hbm>>
      tpu.enqueue_dma source(%dma_start3A_240 : memref<64x128xf32, #tpu.memory_space<hbm>>) target(%dma_start3A_238 : memref<64x128xf32, #tpu.memory_space<hbm>>) target_semaphore(%arg6 : memref<!tpu.dma_semaphore, #tpu.memory_space<semaphore_mem>>)
      %dma_start3A_241 = arith.constant 2 : i32
      %dma_start3A_242 = arith.constant 0 : i32
      %dma_start3A_243 = arith.constant 0 : i32
      %dma_start3A_244 = tpu.memref_slice %arg4[%add3A, %dma_start3A_241, %dma_start3A_242, %dma_start3A_243] : memref<25x8x64x128xf32, #tpu.memory_space<hbm>> -> memref<1x1x64x128xf32, #tpu.memory_space<hbm>>
      %dma_start3A_245 = tpu.memref_squeeze %dma_start3A_244 : memref<1x1x64x128xf32, #tpu.memory_space<hbm>> -> memref<64x128xf32, #tpu.memory_space<hbm>>
      %dma_start3A_246 = arith.constant 0 : i32
      %dma_start3A_247 = tpu.memref_slice %arg3[%dma_start3A_246, %multiple_of3A_82] : memref<64x1000000xf32, #tpu.memory_space<hbm>> -> memref<64x128xf32, #tpu.memory_space<hbm>>
      tpu.enqueue_dma source(%dma_start3A_247 : memref<64x128xf32, #tpu.memory_space<hbm>>) target(%dma_start3A_245 : memref<64x128xf32, #tpu.memory_space<hbm>>) target_semaphore(%arg6 : memref<!tpu.dma_semaphore, #tpu.memory_space<semaphore_mem>>)
      %dma_start3A_248 = arith.constant 3 : i32
      %dma_start3A_249 = arith.constant 0 : i32
      %dma_start3A_250 = arith.constant 0 : i32
      %dma_start3A_251 = tpu.memref_slice %arg4[%add3A, %dma_start3A_248, %dma_start3A_249, %dma_start3A_250] : memref<25x8x64x128xf32, #tpu.memory_space<hbm>> -> memref<1x1x64x128xf32, #tpu.memory_space<hbm>>
      %dma_start3A_252 = tpu.memref_squeeze %dma_start3A_251 : memref<1x1x64x128xf32, #tpu.memory_space<hbm>> -> memref<64x128xf32, #tpu.memory_space<hbm>>
      %dma_start3A_253 = arith.constant 0 : i32
      %dma_start3A_254 = tpu.memref_slice %arg3[%dma_start3A_253, %multiple_of3A_111] : memref<64x1000000xf32, #tpu.memory_space<hbm>> -> memref<64x128xf32, #tpu.memory_space<hbm>>
      tpu.enqueue_dma source(%dma_start3A_254 : memref<64x128xf32, #tpu.memory_space<hbm>>) target(%dma_start3A_252 : memref<64x128xf32, #tpu.memory_space<hbm>>) target_semaphore(%arg6 : memref<!tpu.dma_semaphore, #tpu.memory_space<semaphore_mem>>)
      %dma_start3A_255 = arith.constant 4 : i32
      %dma_start3A_256 = arith.constant 0 : i32
      %dma_start3A_257 = arith.constant 0 : i32
      %dma_start3A_258 = tpu.memref_slice %arg4[%add3A, %dma_start3A_255, %dma_start3A_256, %dma_start3A_257] : memref<25x8x64x128xf32, #tpu.memory_space<hbm>> -> memref<1x1x64x128xf32, #tpu.memory_space<hbm>>
      %dma_start3A_259 = tpu.memref_squeeze %dma_start3A_258 : memref<1x1x64x128xf32, #tpu.memory_space<hbm>> -> memref<64x128xf32, #tpu.memory_space<hbm>>
      %dma_start3A_260 = arith.constant 0 : i32
      %dma_start3A_261 = tpu.memref_slice %arg3[%dma_start3A_260, %multiple_of3A_140] : memref<64x1000000xf32, #tpu.memory_space<hbm>> -> memref<64x128xf32, #tpu.memory_space<hbm>>
      tpu.enqueue_dma source(%dma_start3A_261 : memref<64x128xf32, #tpu.memory_space<hbm>>) target(%dma_start3A_259 : memref<64x128xf32, #tpu.memory_space<hbm>>) target_semaphore(%arg6 : memref<!tpu.dma_semaphore, #tpu.memory_space<semaphore_mem>>)
      %dma_start3A_262 = arith.constant 5 : i32
      %dma_start3A_263 = arith.constant 0 : i32
      %dma_start3A_264 = arith.constant 0 : i32
      %dma_start3A_265 = tpu.memref_slice %arg4[%add3A, %dma_start3A_262, %dma_start3A_263, %dma_start3A_264] : memref<25x8x64x128xf32, #tpu.memory_space<hbm>> -> memref<1x1x64x128xf32, #tpu.memory_space<hbm>>
      %dma_start3A_266 = tpu.memref_squeeze %dma_start3A_265 : memref<1x1x64x128xf32, #tpu.memory_space<hbm>> -> memref<64x128xf32, #tpu.memory_space<hbm>>
      %dma_start3A_267 = arith.constant 0 : i32
      %dma_start3A_268 = tpu.memref_slice %arg3[%dma_start3A_267, %multiple_of3A_169] : memref<64x1000000xf32, #tpu.memory_space<hbm>> -> memref<64x128xf32, #tpu.memory_space<hbm>>
      tpu.enqueue_dma source(%dma_start3A_268 : memref<64x128xf32, #tpu.memory_space<hbm>>) target(%dma_start3A_266 : memref<64x128xf32, #tpu.memory_space<hbm>>) target_semaphore(%arg6 : memref<!tpu.dma_semaphore, #tpu.memory_space<semaphore_mem>>)
      %dma_start3A_269 = arith.constant 6 : i32
      %dma_start3A_270 = arith.constant 0 : i32
      %dma_start3A_271 = arith.constant 0 : i32
      %dma_start3A_272 = tpu.memref_slice %arg4[%add3A, %dma_start3A_269, %dma_start3A_270, %dma_start3A_271] : memref<25x8x64x128xf32, #tpu.memory_space<hbm>> -> memref<1x1x64x128xf32, #tpu.memory_space<hbm>>
      %dma_start3A_273 = tpu.memref_squeeze %dma_start3A_272 : memref<1x1x64x128xf32, #tpu.memory_space<hbm>> -> memref<64x128xf32, #tpu.memory_space<hbm>>
      %dma_start3A_274 = arith.constant 0 : i32
      %dma_start3A_275 = tpu.memref_slice %arg3[%dma_start3A_274, %multiple_of3A_198] : memref<64x1000000xf32, #tpu.memory_space<hbm>> -> memref<64x128xf32, #tpu.memory_space<hbm>>
      tpu.enqueue_dma source(%dma_start3A_275 : memref<64x128xf32, #tpu.memory_space<hbm>>) target(%dma_start3A_273 : memref<64x128xf32, #tpu.memory_space<hbm>>) target_semaphore(%arg6 : memref<!tpu.dma_semaphore, #tpu.memory_space<semaphore_mem>>)
      %dma_start3A_276 = arith.constant 7 : i32
      %dma_start3A_277 = arith.constant 0 : i32
      %dma_start3A_278 = arith.constant 0 : i32
      %dma_start3A_279 = tpu.memref_slice %arg4[%add3A, %dma_start3A_276, %dma_start3A_277, %dma_start3A_278] : memref<25x8x64x128xf32, #tpu.memory_space<hbm>> -> memref<1x1x64x128xf32, #tpu.memory_space<hbm>>
      %dma_start3A_280 = tpu.memref_squeeze %dma_start3A_279 : memref<1x1x64x128xf32, #tpu.memory_space<hbm>> -> memref<64x128xf32, #tpu.memory_space<hbm>>
      %dma_start3A_281 = arith.constant 0 : i32
      %dma_start3A_282 = tpu.memref_slice %arg3[%dma_start3A_281, %multiple_of3A_227] : memref<64x1000000xf32, #tpu.memory_space<hbm>> -> memref<64x128xf32, #tpu.memory_space<hbm>>
      tpu.enqueue_dma source(%dma_start3A_282 : memref<64x128xf32, #tpu.memory_space<hbm>>) target(%dma_start3A_280 : memref<64x128xf32, #tpu.memory_space<hbm>>) target_semaphore(%arg6 : memref<!tpu.dma_semaphore, #tpu.memory_space<semaphore_mem>>)
      %dma_wait3A = arith.constant 0 : i32
      %dma_wait3A_283 = arith.constant 0 : i32
      %dma_wait3A_284 = arith.constant 0 : i32
      %dma_wait3A_285 = tpu.memref_slice %arg4[%add3A, %dma_wait3A, %dma_wait3A_283, %dma_wait3A_284] : memref<25x8x64x128xf32, #tpu.memory_space<hbm>> -> memref<1x1x64x128xf32, #tpu.memory_space<hbm>>
      %dma_wait3A_286 = tpu.memref_squeeze %dma_wait3A_285 : memref<1x1x64x128xf32, #tpu.memory_space<hbm>> -> memref<64x128xf32, #tpu.memory_space<hbm>>
      %dma_wait3A_287 = arith.constant 0 : i32
      %dma_wait3A_288 = tpu.memref_slice %arg3[%dma_wait3A_287, %multiple_of3A] : memref<64x1000000xf32, #tpu.memory_space<hbm>> -> memref<64x128xf32, #tpu.memory_space<hbm>>
      tpu.wait_dma2 semaphore(%arg6 : memref<!tpu.dma_semaphore, #tpu.memory_space<semaphore_mem>>) src(%dma_wait3A_288 : memref<64x128xf32, #tpu.memory_space<hbm>>) dst(%dma_wait3A_286 : memref<64x128xf32, #tpu.memory_space<hbm>>)
      %dma_wait3A_289 = arith.constant 1 : i32
      %dma_wait3A_290 = arith.constant 0 : i32
      %dma_wait3A_291 = arith.constant 0 : i32
      %dma_wait3A_292 = tpu.memref_slice %arg4[%add3A, %dma_wait3A_289, %dma_wait3A_290, %dma_wait3A_291] : memref<25x8x64x128xf32, #tpu.memory_space<hbm>> -> memref<1x1x64x128xf32, #tpu.memory_space<hbm>>
      %dma_wait3A_293 = tpu.memref_squeeze %dma_wait3A_292 : memref<1x1x64x128xf32, #tpu.memory_space<hbm>> -> memref<64x128xf32, #tpu.memory_space<hbm>>
      %dma_wait3A_294 = arith.constant 0 : i32
      %dma_wait3A_295 = tpu.memref_slice %arg3[%dma_wait3A_294, %multiple_of3A_53] : memref<64x1000000xf32, #tpu.memory_space<hbm>> -> memref<64x128xf32, #tpu.memory_space<hbm>>
      tpu.wait_dma2 semaphore(%arg6 : memref<!tpu.dma_semaphore, #tpu.memory_space<semaphore_mem>>) src(%dma_wait3A_295 : memref<64x128xf32, #tpu.memory_space<hbm>>) dst(%dma_wait3A_293 : memref<64x128xf32, #tpu.memory_space<hbm>>)
      %dma_wait3A_296 = arith.constant 2 : i32
      %dma_wait3A_297 = arith.constant 0 : i32
      %dma_wait3A_298 = arith.constant 0 : i32
      %dma_wait3A_299 = tpu.memref_slice %arg4[%add3A, %dma_wait3A_296, %dma_wait3A_297, %dma_wait3A_298] : memref<25x8x64x128xf32, #tpu.memory_space<hbm>> -> memref<1x1x64x128xf32, #tpu.memory_space<hbm>>
      %dma_wait3A_300 = tpu.memref_squeeze %dma_wait3A_299 : memref<1x1x64x128xf32, #tpu.memory_space<hbm>> -> memref<64x128xf32, #tpu.memory_space<hbm>>
      %dma_wait3A_301 = arith.constant 0 : i32
      %dma_wait3A_302 = tpu.memref_slice %arg3[%dma_wait3A_301, %multiple_of3A_82] : memref<64x1000000xf32, #tpu.memory_space<hbm>> -> memref<64x128xf32, #tpu.memory_space<hbm>>
      tpu.wait_dma2 semaphore(%arg6 : memref<!tpu.dma_semaphore, #tpu.memory_space<semaphore_mem>>) src(%dma_wait3A_302 : memref<64x128xf32, #tpu.memory_space<hbm>>) dst(%dma_wait3A_300 : memref<64x128xf32, #tpu.memory_space<hbm>>)
      %dma_wait3A_303 = arith.constant 3 : i32
      %dma_wait3A_304 = arith.constant 0 : i32
      %dma_wait3A_305 = arith.constant 0 : i32
      %dma_wait3A_306 = tpu.memref_slice %arg4[%add3A, %dma_wait3A_303, %dma_wait3A_304, %dma_wait3A_305] : memref<25x8x64x128xf32, #tpu.memory_space<hbm>> -> memref<1x1x64x128xf32, #tpu.memory_space<hbm>>
      %dma_wait3A_307 = tpu.memref_squeeze %dma_wait3A_306 : memref<1x1x64x128xf32, #tpu.memory_space<hbm>> -> memref<64x128xf32, #tpu.memory_space<hbm>>
      %dma_wait3A_308 = arith.constant 0 : i32
      %dma_wait3A_309 = tpu.memref_slice %arg3[%dma_wait3A_308, %multiple_of3A_111] : memref<64x1000000xf32, #tpu.memory_space<hbm>> -> memref<64x128xf32, #tpu.memory_space<hbm>>
      tpu.wait_dma2 semaphore(%arg6 : memref<!tpu.dma_semaphore, #tpu.memory_space<semaphore_mem>>) src(%dma_wait3A_309 : memref<64x128xf32, #tpu.memory_space<hbm>>) dst(%dma_wait3A_307 : memref<64x128xf32, #tpu.memory_space<hbm>>)
      %dma_wait3A_310 = arith.constant 4 : i32
      %dma_wait3A_311 = arith.constant 0 : i32
      %dma_wait3A_312 = arith.constant 0 : i32
      %dma_wait3A_313 = tpu.memref_slice %arg4[%add3A, %dma_wait3A_310, %dma_wait3A_311, %dma_wait3A_312] : memref<25x8x64x128xf32, #tpu.memory_space<hbm>> -> memref<1x1x64x128xf32, #tpu.memory_space<hbm>>
      %dma_wait3A_314 = tpu.memref_squeeze %dma_wait3A_313 : memref<1x1x64x128xf32, #tpu.memory_space<hbm>> -> memref<64x128xf32, #tpu.memory_space<hbm>>
      %dma_wait3A_315 = arith.constant 0 : i32
      %dma_wait3A_316 = tpu.memref_slice %arg3[%dma_wait3A_315, %multiple_of3A_140] : memref<64x1000000xf32, #tpu.memory_space<hbm>> -> memref<64x128xf32, #tpu.memory_space<hbm>>
      tpu.wait_dma2 semaphore(%arg6 : memref<!tpu.dma_semaphore, #tpu.memory_space<semaphore_mem>>) src(%dma_wait3A_316 : memref<64x128xf32, #tpu.memory_space<hbm>>) dst(%dma_wait3A_314 : memref<64x128xf32, #tpu.memory_space<hbm>>)
      %dma_wait3A_317 = arith.constant 5 : i32
      %dma_wait3A_318 = arith.constant 0 : i32
      %dma_wait3A_319 = arith.constant 0 : i32
      %dma_wait3A_320 = tpu.memref_slice %arg4[%add3A, %dma_wait3A_317, %dma_wait3A_318, %dma_wait3A_319] : memref<25x8x64x128xf32, #tpu.memory_space<hbm>> -> memref<1x1x64x128xf32, #tpu.memory_space<hbm>>
      %dma_wait3A_321 = tpu.memref_squeeze %dma_wait3A_320 : memref<1x1x64x128xf32, #tpu.memory_space<hbm>> -> memref<64x128xf32, #tpu.memory_space<hbm>>
      %dma_wait3A_322 = arith.constant 0 : i32
      %dma_wait3A_323 = tpu.memref_slice %arg3[%dma_wait3A_322, %multiple_of3A_169] : memref<64x1000000xf32, #tpu.memory_space<hbm>> -> memref<64x128xf32, #tpu.memory_space<hbm>>
      tpu.wait_dma2 semaphore(%arg6 : memref<!tpu.dma_semaphore, #tpu.memory_space<semaphore_mem>>) src(%dma_wait3A_323 : memref<64x128xf32, #tpu.memory_space<hbm>>) dst(%dma_wait3A_321 : memref<64x128xf32, #tpu.memory_space<hbm>>)
      %dma_wait3A_324 = arith.constant 6 : i32
      %dma_wait3A_325 = arith.constant 0 : i32
      %dma_wait3A_326 = arith.constant 0 : i32
      %dma_wait3A_327 = tpu.memref_slice %arg4[%add3A, %dma_wait3A_324, %dma_wait3A_325, %dma_wait3A_326] : memref<25x8x64x128xf32, #tpu.memory_space<hbm>> -> memref<1x1x64x128xf32, #tpu.memory_space<hbm>>
      %dma_wait3A_328 = tpu.memref_squeeze %dma_wait3A_327 : memref<1x1x64x128xf32, #tpu.memory_space<hbm>> -> memref<64x128xf32, #tpu.memory_space<hbm>>
      %dma_wait3A_329 = arith.constant 0 : i32
      %dma_wait3A_330 = tpu.memref_slice %arg3[%dma_wait3A_329, %multiple_of3A_198] : memref<64x1000000xf32, #tpu.memory_space<hbm>> -> memref<64x128xf32, #tpu.memory_space<hbm>>
      tpu.wait_dma2 semaphore(%arg6 : memref<!tpu.dma_semaphore, #tpu.memory_space<semaphore_mem>>) src(%dma_wait3A_330 : memref<64x128xf32, #tpu.memory_space<hbm>>) dst(%dma_wait3A_328 : memref<64x128xf32, #tpu.memory_space<hbm>>)
      %dma_wait3A_331 = arith.constant 7 : i32
      %dma_wait3A_332 = arith.constant 0 : i32
      %dma_wait3A_333 = arith.constant 0 : i32
      %dma_wait3A_334 = tpu.memref_slice %arg4[%add3A, %dma_wait3A_331, %dma_wait3A_332, %dma_wait3A_333] : memref<25x8x64x128xf32, #tpu.memory_space<hbm>> -> memref<1x1x64x128xf32, #tpu.memory_space<hbm>>
      %dma_wait3A_335 = tpu.memref_squeeze %dma_wait3A_334 : memref<1x1x64x128xf32, #tpu.memory_space<hbm>> -> memref<64x128xf32, #tpu.memory_space<hbm>>
      %dma_wait3A_336 = arith.constant 0 : i32
      %dma_wait3A_337 = tpu.memref_slice %arg3[%dma_wait3A_336, %multiple_of3A_227] : memref<64x1000000xf32, #tpu.memory_space<hbm>> -> memref<64x128xf32, #tpu.memory_space<hbm>>
      tpu.wait_dma2 semaphore(%arg6 : memref<!tpu.dma_semaphore, #tpu.memory_space<semaphore_mem>>) src(%dma_wait3A_337 : memref<64x128xf32, #tpu.memory_space<hbm>>) dst(%dma_wait3A_335 : memref<64x128xf32, #tpu.memory_space<hbm>>)
    } else {
    }
    return
  }
}

module attributes {stable_mosaic.version = 14 : i64} {
  func.func @_assemble_body(%arg0: memref<200x64x128xf32, #tpu.memory_space<vmem>>, %arg1: memref<200x1xi32, #tpu.memory_space<vmem>>, %arg2: memref<200x64xf32, #tpu.memory_space<vmem>>, %arg3: memref<200x128xf32, #tpu.memory_space<vmem>>, %arg4: memref<1x1x128xf32, #tpu.memory_space<vmem>>) attributes {dimension_semantics = [], scalar_prefetch = 0 : i64, scratch_operands = 0 : i64, tpu.core_type = #tpu.core_type<tc>} {
    %get3A = arith.constant 0 : index
    %get3A_0 = arith.constant 0 : index
    %get3A_1 = vector.load %arg1[%get3A, %get3A_0] : memref<200x1xi32, #tpu.memory_space<vmem>>, vector<200x1xi32>
    %jit3A = arith.constant 128 : i32
    %eq3A = arith.constant 0 : i32
    %eq3A_2 = arith.cmpi eq, %jit3A, %eq3A : i32
    %jit3A_3 = arith.constant 1 : i32
    %select_n3A = arith.select %eq3A_2, %jit3A_3, %jit3A : i32
    %rem3A = vector.broadcast %select_n3A : i32 to vector<200x1xi32>
    %rem3A_4 = arith.remsi %get3A_1, %rem3A : vector<200x1xi32>
    %ne3A = arith.constant 0 : i32
    %ne3A_5 = vector.broadcast %ne3A : i32 to vector<200x1xi32>
    %ne3A_6 = arith.cmpi ne, %rem3A_4, %ne3A_5 : vector<200x1xi32>
    %lt3A = arith.constant 0 : i32
    %lt3A_7 = vector.broadcast %lt3A : i32 to vector<200x1xi32>
    %lt3A_8 = arith.cmpi slt, %rem3A_4, %lt3A_7 : vector<200x1xi32>
    %lt3A_9 = arith.constant 0 : i32
    %lt3A_10 = arith.cmpi slt, %select_n3A, %lt3A_9 : i32
    %ne3A_11 = vector.broadcast %lt3A_10 : i1 to vector<200x1xi1>
    %ne3A_12 = vector.broadcast %ne3A_11 : vector<200x1xi1> to vector<200x1xi1>
    %ne3A_13 = arith.xori %lt3A_8, %ne3A_12 : vector<200x1xi1>
    %and3A = arith.andi %ne3A_13, %ne3A_6 : vector<200x1xi1>
    %add3A = vector.broadcast %select_n3A : i32 to vector<200x1xi32>
    %add3A_14 = arith.addi %rem3A_4, %add3A : vector<200x1xi32>
    %select_n3A_15 = arith.select %and3A, %add3A_14, %rem3A_4 : vector<200x1xi1>, vector<200x1xi32>
    %iota3A = tpu.iota {dimensions = array<i32: 1>} : vector<200x128xi32>
    %eq3A_16 = vector.broadcast %select_n3A_15 : vector<200x1xi32> to vector<200x128xi32>
    %eq3A_17 = arith.cmpi eq, %iota3A, %eq3A_16 : vector<200x128xi32>
    %convert_element_type3A = arith.extui %eq3A_17 : vector<200x128xi1> to vector<200x128xi32>
    %convert_element_type3A_18 = arith.sitofp %convert_element_type3A : vector<200x128xi32> to vector<200x128xf32>
    %get3A_19 = arith.constant 0 : index
    %get3A_20 = arith.constant 0 : index
    %get3A_21 = arith.constant 0 : index
    %get3A_22 = vector.load %arg0[%get3A_19, %get3A_20, %get3A_21] : memref<200x64x128xf32, #tpu.memory_space<vmem>>, vector<200x64x128xf32>
    %broadcast_in_dim3A = vector.shape_cast %convert_element_type3A_18 : vector<200x128xf32> to vector<200x1x128xf32>
    %mul3A = vector.broadcast %broadcast_in_dim3A : vector<200x1x128xf32> to vector<200x64x128xf32>
    %mul3A_23 = arith.mulf %get3A_22, %mul3A : vector<200x64x128xf32>
    %reduce_sum3A = arith.constant dense<0.000000e+00> : vector<200x64xf32>
    %reduce_sum3A_24 = vector.multi_reduction <add>, %mul3A_23, %reduce_sum3A [2] : vector<200x64x128xf32> to vector<200x64xf32>
    %get3A_25 = arith.constant 0 : index
    %get3A_26 = arith.constant 0 : index
    %get3A_27 = vector.load %arg2[%get3A_25, %get3A_26] : memref<200x64xf32, #tpu.memory_space<vmem>>, vector<200x64xf32>
    %concatenate3A = tpu.concatenate %reduce_sum3A_24, %get3A_27 in 1 : vector<200x64xf32>, vector<200x64xf32> -> vector<200x128xf32>
    %swap3A = arith.constant 0 : index
    %swap3A_28 = arith.constant 0 : index
    %swap3A_29 = vector.load %arg3[%swap3A, %swap3A_28] : memref<200x128xf32, #tpu.memory_space<vmem>>, vector<200x128xf32>
    tpu.vector_store %arg3[%swap3A, %swap3A_28], %concatenate3A {strides = array<i32>} : memref<200x128xf32, #tpu.memory_space<vmem>>, vector<200x128xf32>,
    %reduce_sum3A_30 = arith.constant dense<0.000000e+00> : vector<128xf32>
    %reduce_sum3A_31 = vector.multi_reduction <add>, %concatenate3A, %reduce_sum3A_30 [0] : vector<200x128xf32> to vector<128xf32>
    %div3A = arith.constant 2.000000e+02 : f32
    %div3A_32 = vector.broadcast %div3A : f32 to vector<128xf32>
    %div3A_33 = arith.divf %reduce_sum3A_31, %div3A_32 : vector<128xf32>
    %reshape3A = vector.shape_cast %div3A_33 : vector<128xf32> to vector<1x1x128xf32>
    %swap3A_34 = arith.constant 0 : index
    %swap3A_35 = arith.constant 0 : index
    %swap3A_36 = arith.constant 0 : index
    %swap3A_37 = vector.load %arg4[%swap3A_34, %swap3A_35, %swap3A_36] : memref<1x1x128xf32, #tpu.memory_space<vmem>>, vector<1x1x128xf32>
    tpu.vector_store %arg4[%swap3A_34, %swap3A_35, %swap3A_36], %reshape3A {strides = array<i32>} : memref<1x1x128xf32, #tpu.memory_space<vmem>>, vector<1x1x128xf32>,
    return
  }
}

</mosaic_0001>

<sc_bundles>
// kernel: kernel.4.cloned.1.call-start
scs
__scs_entry_jumppad:
0x0: {  	(pc) =	sbr.rel $0x88, $3  }
0x1: {  	(tag) =	ssettag $0x0;
	lr =	simm.s32 $0x1  }
0x2: {  	[smem:$0x3F9E] =	sst lr;
	_ =	strace $0xD0000000  }
0x3: {  	_ = 	snop  }
0x4: {  	_ = 	snop  }
0x5: {  	_ = 	snop  }
0x6: {  	_ = 	snop  }
0x7: {  	_ = 	snop  }
__scs_overlays_trampoline_lowered:
0x8: {  	[smem:$0x3FAD] =	sst s0  }
0x9: {  	[smem:$0x3FAE] =	sst s1  }
0xa: {  	[smem:$0x3FAF] =	sst s2  }
0xb: {  	[smem:$0x3FB0] =	sst s3  }
0xc: {  	[smem:$0x3FB1] =	sst s4  }
0xd: {  	[smem:$0x3FB2] =	sst s5  }
0xe: {  	[smem:$0x3FB3] =	sst s6  }
0xf: {  	[smem:$0x3FB4] =	sst s7  }
0x10: {  	[smem:$0x3FB5] =	sst s8  }
0x11: {  	[smem:$0x3FB6] =	sst s9;
	s0 =	simm.s32 @!p0 $0x0  }
0x12: {  	s1 =	sld [smem:$0x3F9C];
	s0 =	simm.s32 @p0 $0x1  }
0x13: {  	[smem:$0x3FB7] =	sst s0;
	s0 =	simm.s32 @!p1 $0x0  }
0x14: {  	s2 =	sld [smem:$0x3F9B];
	s0 =	simm.s32 @p1 $0x1  }
0x15: {  	[smem:$0x3FB8] =	sst s0;
	s0 =	simm.s32 @!p2 $0x0  }
0x16: {  	s3 =	sld [smem:$0x3FDB];
	s0 =	simm.s32 @p2 $0x1  }
0x17: {  	s4 =	simm.s32 $0x1BF5;
	[smem:$0x3FBA] =	sst s0  }
0x18: {  	s0 =	sld [smem:$0x3F9D];
	_ =	swait.ge [sflag:s4], $0x0  }
0x19: {  	s7 =	sld [smem:$0x3F9E]  }
0x1a: {  	s8 =	sadd.s32 $0xFFFFE003, lr  }
0x1b: {  	s9 =	sadd.s32 $0xFFFFFEF7, lr;
	s5 =	simm.s32 $0xFFFFFFFF;
	p2 =	slt.u32 s8, $0xFFFFF086  }
0x1c: {  	p1 =	slt.u32 s9, $0xF7A;
	s5 =	simm.s32 @!p2 $0x0  }
0x1d: {  	s5 =	simm.s32 @p1 $0x1;
	p0 =	seq.s32 s7, s2  }
0x1e: {  	s7 =	smul.u32 @!p0 $0xF7A, s2;
	p2 =	seq.s32 @!p0 s5, $0x0  }
0x1f: {  	s9 =	smul.u32 $0xF7A, s1;
	s8 =	simm.s32 @!p0 $0x1BF5;
	p2 =	por !p2, p0  }
0x20: {  	[sflag:s8] =	ssyncset.s32 @!p0 $0xFFFFF086;
	s6 =	sadd.s32 @!p0 s3, s7;
	s7 =	simm.s32 @!p0 $0x108  }
0x21: {  	s3 =	sadd.s32 s3, s9;
	s6 =	sadd.s32 @!p0 $0x88, s6;
	s7 =	simm.s32 @p2 $0x1082  }
0x22: {  	[simem:s7], [sflag:s8] =	dma.local @!p0 [hbm:s6], $0xF7A  }
0x23: {  	s9 =	sor.u32 $0xD0000000, s2;
	s6 =	simm.s32 $0x108;
	_ =	swait.ge @!p0 [sflag:s8], $0x0  }
0x24: {  	s3 =	sadd.s32 $0x88, s3;
	s6 =	simm.s32 @!p1 $0x1082;
	[sflag:s4] =	ssyncset.s32 $0xFFFFF086  }
0x25: {  	[simem:s6], [sflag:s4] =	dma.local [hbm:s3], $0xF7A  }
0x26: {  	[smem:$0x3F9E] =	sst s1;
	(tag) =	ssettag s2;
	_ =	strace s9  }
0x27: {  	s1 =	sld [smem:$0x3FAE]  }
0x28: {  	s2 =	sld [smem:$0x3FAF]  }
0x29: {  	s4 =	sld [smem:$0x3FB1]  }
0x2a: {  	p0 =	seq.s32 s5, $0x0;
	s5 =	sld [smem:$0x3FB2]  }
0x2b: {  	s6 =	sld [smem:$0x3FB3]  }
0x2c: {  	s7 =	sld [smem:$0x3FB4]  }
0x2d: {  	s3 =	simm.s32 $0x108;
	s8 =	sld [smem:$0x3FB5]  }
0x2e: {  	s3 =	simm.s32 @!p0 $0x1082;
	s9 =	sld [smem:$0x3FB6]  }
0x2f: {  	lr =	sadd.s32 s0, s3;
	s0 =	sld [smem:$0x3FAD]  }
0x30: {  	s3 =	sld [smem:$0x3FB0]  }
0x31: {  	[smem:$0x3FB9] =	sst s10  }
0x32: {  	s10 =	sld [smem:$0x3FB7];
	_ =	sdelay $0x3  }
0x33: {  	p0 =	seq.s32 s10, $0x1;
	s10 =	sld [smem:$0x3FB9];
	_ =	sdelay $0x3  }
0x34: {  	[smem:$0x3FB9] =	sst s10  }
0x35: {  	s10 =	sld [smem:$0x3FB8];
	_ =	sdelay $0x3  }
0x36: {  	p1 =	seq.s32 s10, $0x1;
	s10 =	sld [smem:$0x3FB9];
	_ =	sdelay $0x3  }
0x37: {  	[smem:$0x3FB9] =	sst s10  }
0x38: {  	s10 =	sld [smem:$0x3FBA]  }
0x39: {  	_ = 	snop;
	(pc) =	sbr.ind lr, $3  }
0x3a: {  	_ = 	snop  }
0x3b: {  	_ = 	snop  }
0x3c: {  	p2 =	seq.s32 s10, $0x1;
	s10 =	sld [smem:$0x3FB9]  }
0x3d: {  	_ =	shalt  }
0x3e: {  	_ =	shalt  }
0x3f: {  	_ =	shalt  }
0x40: {  	_ =	shalt  }
0x41: {  	_ =	shalt  }
0x42: {  	_ =	shalt  }
0x43: {  	_ =	shalt  }
0x44: {  	_ =	shalt  }
0x45: {  	_ =	shalt  }
0x46: {  	_ =	shalt  }
0x47: {  	_ =	shalt  }
0x48: {  	_ =	shalt  }
0x49: {  	_ =	shalt  }
0x4a: {  	_ =	shalt  }
0x4b: {  	_ =	shalt  }
0x4c: {  	_ =	shalt  }
0x4d: {  	_ =	shalt  }
0x4e: {  	_ =	shalt  }
0x4f: {  	_ =	shalt  }
0x50: {  	_ =	shalt  }
0x51: {  	_ =	shalt  }
0x52: {  	_ =	shalt  }
0x53: {  	_ =	shalt  }
0x54: {  	_ =	shalt  }
0x55: {  	_ =	shalt  }
0x56: {  	_ =	shalt  }
0x57: {  	_ =	shalt  }
0x58: {  	_ =	shalt  }
0x59: {  	_ =	shalt  }
0x5a: {  	_ =	shalt  }
0x5b: {  	_ =	shalt  }
0x5c: {  	_ =	shalt  }
0x5d: {  	_ =	shalt  }
0x5e: {  	_ =	shalt  }
0x5f: {  	_ =	shalt  }
0x60: {  	_ =	shalt  }
0x61: {  	_ =	shalt  }
0x62: {  	_ =	shalt  }
0x63: {  	_ =	shalt  }
0x64: {  	_ =	shalt  }
0x65: {  	_ =	shalt  }
0x66: {  	_ =	shalt  }
0x67: {  	_ =	shalt  }
0x68: {  	_ =	shalt  }
0x69: {  	_ =	shalt  }
0x6a: {  	_ =	shalt  }
0x6b: {  	_ =	shalt  }
0x6c: {  	_ =	shalt  }
0x6d: {  	_ =	shalt  }
0x6e: {  	_ =	shalt  }
0x6f: {  	_ =	shalt  }
0x70: {  	_ =	shalt  }
0x71: {  	_ =	shalt  }
0x72: {  	_ =	shalt  }
0x73: {  	_ =	shalt  }
0x74: {  	_ =	shalt  }
0x75: {  	_ =	shalt  }
0x76: {  	_ =	shalt  }
0x77: {  	_ =	shalt  }
0x78: {  	_ =	shalt  }
0x79: {  	_ =	shalt  }
0x7a: {  	_ =	shalt  }
0x7b: {  	_ =	shalt  }
0x7c: {  	_ =	shalt  }
0x7d: {  	_ =	shalt  }
0x7e: {  	_ =	shalt  }
0x7f: {  	_ =	shalt  }
0x80: {  	_ =	shalt  }
0x81: {  	_ =	shalt  }
0x82: {  	_ =	shalt  }
0x83: {  	_ =	shalt  }
0x84: {  	_ =	shalt  }
0x85: {  	_ =	shalt  }
0x86: {  	_ =	shalt  }
0x87: {  	_ =	shalt  }
.Lfunc_end0:
.L_simem_size_0:
called_computation_lowered:
.L_overlay_start_0:
0x88: {  	s2 =	sld [smem:$0x3FD9]  }
0x89: {  	s3 =	sld [smem:$0x3FFE];
	_ =	sdelay $0x1  }
0x8a: {  	s1 =	srdreg.scid  }
0x8b: {  	s0 =	sand.u32 $0x1, s1  }
0x8c: {  	s17 =	sshll.u32 s0, $0xA;
	s2 =	sadd.s32 s3, s2  }
0x8d: {  	s2 =	sadd.s32 s2, s17  }
0x8e: {  	[smem:$0x3FC5] =	sst s2  }
0x8f: {  	_ = 	snop  }
0x90: {  	s2 =	sld [smem:$0x3FC9]  }
0x91: {  	s18 =	sld [smem:$0x3FC8];
	(tm) =	ssettm $0x1  }
0x92: {  	s4 =	sld [smem:$0x3FFB];
	_ =	sdelay $0x3  }
0x93: {  	_ =	strace s4  }
0x94: {  	s4 =	sld [smem:$0x3FFC];
	_ =	sdelay $0x3  }
0x95: {  	_ =	strace s4  }
0x96: {  	s4 =	sld [smem:$0x3FFD];
	_ =	sdelay $0x3  }
0x97: {  	_ =	strace s4  }
0x98: {  	_ =	strace $0x8FFFFFFF  }
0x99: {  	s19 =	sld [smem:$0x3FDB];
	_ =	sdelay $0x1  }
0x9a: {  	s5 =	simm.s32 $_scs_section_size  }
0x9b: {  	s6 =	simm.s32 $_size__tile_overlayer_lowered;
	s7 =	simm.s32 $_tile_overlayer_lowered  }
0x9c: {  	s22 =	simm.s32 $0x1BFF;
	s21 =	sshll.u32 s7, $0x1;
	s4 =	sadd.s32 s5, s19  }
0x9d: {  	s8 =	simm.s32 $0x0;
	s20 =	sshll.u32 s6, $0x1;
	s6 =	sadd.s32 s21, s4  }
0x9e: {  	[timem:s8], [sflag:s22] =	dma.local [hbm:s6], s20  }
0x9f: {  	_ =	swait.ge [sflag:s22], s20  }
0xa0: {  	s5 =	ssub.s32 $0x0, s20;
	[sflag:s22] =	ssyncset.done $0x0  }
0xa1: {  	[sflag:s22] =	ssyncadd.s32 s5;
	_ =	sdelay $0x1  }
0xa2: {  	s23 =	simm.s32 $0x1B8B  }
0xa3: {  	_ =	swait.ge [sflag:s23], $0x1  }
0xa4: {  	[sflag:s23] =	ssyncset.done $0x0  }
0xa5: {  	s25 =	simm.s32 $0x1B8E;
	s24 =	sld [smem:$0x3FFE];
	[sflag:s23] =	ssyncadd.s32 $0xFFFFFFFF  }
0xa6: {  	s26 =	simm.s32 $execute0_lowered;
	[smem:$0x3FD2] =	sst s25  }
0xa7: {  	s6 =	sshll.u32 s26, $0x1;
	_ =	strace $0x80000046;
	[dreg:$0x1] =	wrdreg $0xFFFFFFFF  }
0xa8: {  	s28 =	simm.s32 $_size_execute0_lowered;
	s4 =	sadd.s32 s4, s6;
	[dreg:$0x0] =	wrdreg $0x0  }
0xa9: {  	s6 =	sshll.u32 s28, $0x1;
	[dreg:$0x2] =	wrdreg s4  }
0xaa: {  	[dreg:$0x3] =	wrdreg s6  }
0xab: {  	[dreg:$0x4] =	wrdreg $0xC0  }
0xac: {  	_ =	task [dreg:s8], $0x5FFFF  }
0xad: {  	[dreg:$0x1] =	wrdreg $0xFFFFFFFF  }
0xae: {  	[dreg:$0x0] =	wrdreg $0x60  }
0xaf: {  	[dreg:$0x2] =	wrdreg s2  }
0xb0: {  	[dreg:$0x3] =	wrdreg s18  }
0xb1: {  	[dreg:$0x4] =	wrdreg s24  }
0xb2: {  	[dreg:$0x5] =	wrdreg $0x9  }
0xb3: {  	_ =	task.clear_ibuf [dreg:s8], $0x6FFFF;
	_ =	strace $0x90000046  }
0xb4: {  	s29 =	simm.s32 $0x9;
	_ =	strace $0x80000048  }
0xb5: {  	_ =	swait.ge [sflag:s29], $0x1  }
0xb6: {  	[sflag:s29] =	ssyncadd.s32 $0xFFFFFFFF  }
0xb7: {  	_ =	strace $0x90000048  }
0xb8: {  	_ =	sfence  }
0xb9: {  	s30 =	sld [smem:$0x0];
	_ =	sdelay $0x2  }
0xba: {  	s31 =	sshll.u32 s1, $0xD;
	s1 =	sshrl.u32 s1, $0x2  }
0xbb: {  	s3 =	sand.u32 $0x4000, s31;
	s1 =	sadd.s32 s1, s30  }
0xbc: {  	s0 =	sor.u32 s3, s0;
	s1 =	sshll.u32 s1, $0x11  }
0xbd: {  	s0 =	sor.u32 s1, s0  }
0xbe: {  	s0 =	sadd.s32 $0x8F2B, s0  }
0xbf: {  	[sflag:s0] =	ssyncadd.remote.s32 $0x1  }
0xc0: {  	_ =	sfence.sel $0xFFFF  }
0xc1: {  	[dreg:$0x0] =	wrdreg $0xFFFFFFFF;
	(pc) =	sbr.abs _section_cstart, $3  }
0xc2: {  	[dreg:$0x1] =	wrdreg $0xFFFFFFFF  }
0xc3: {  	_ =	task.clear_ibuf [dreg:s8], $0x2FFFF;
	_ =	strace $0x9FFFFFFF  }
0xc4: {  	(tm) =	ssettm $0x7FFFFFFF  }
0xc5: {  	_ =	shalt  }
tec
execute0_lowered:
.L_overlay_start_1:
0x0: {  	(tag) =	ssettag $0x1  }
0x1: {  	s0 =	srdreg.scid  }
0x2: {  	s10 =	sand.u32 $0x1, s0  }
0x3: {  	s1 =	stileid.u32;
	s5 =	sshll.u32 s10, $0x4  }
0x4: {  	s5 =	sor.u32 s1, s5  }
0x5: {  	p0 =	sgt.u32 s5, $0x18  }
.Ltmp0:
0x6: {  	s4 =	rddreg [dreg:$0x0];
	(pc) =	sbr.rel @p0 .LBB2_4-.Ltmp0, $4  }
0x7: {  	s2 =	rddreg [dreg:$0x1]  }
0x8: {  	s6 =	rddreg [dreg:$0x2];
	s3 =	simm.s32 $0x0  }
0x9: {  	[smem:$0x7FF] =	sst s3  }
0xa: {  	s0 =	rddreg [dreg:$0x3];
	_ =	strace $0x80000047  }
0xb: {  	s7 =	sshll.u32 s5, $0xD;
	s4 =	sadd.s32 s4, s5  }
0xc: {  	s6 =	sadd.s32 s7, s6;
	[dreg:$0xc] =	wrdreg s4  }
0xd: {  	s7 =	sadd.s32 $0xA00, s6;
	s15 =	rddreg [dreg:$0xc]  }
0xe: {  	s8 =	sadd.s32 $0xE00, s6;
	[dreg:$0x4] =	wrdreg s7  }
0xf: {  	s9 =	sadd.s32 $0x1200, s6;
	[dreg:$0x5] =	wrdreg s8  }
0x10: {  	s11 =	sadd.s32 $0x1600, s6;
	[dreg:$0x6] =	wrdreg s9  }
0x11: {  	s12 =	sadd.s32 $0x1A00, s6;
	[dreg:$0x7] =	wrdreg s11  }
0x12: {  	s13 =	sadd.s32 $0x1E00, s6;
	[dreg:$0x8] =	wrdreg s12  }
0x13: {  	s14 =	sadd.s32 $0x2200, s6;
	[dreg:$0x9] =	wrdreg s13  }
0x14: {  	s16 =	sadd.s32 $0x2600, s6;
	[dreg:$0xa] =	wrdreg s14  }
0x15: {  	s4 =	simm.s32 $0x2;
	[dreg:$0xb] =	wrdreg s16  }
0x16: {  	[tilespmem:s3], [sflag:$0x2] =	stream.linear.gather [hbm4b:s15+s3], $0x8, $0x38;
	[tilespmem:$0x80] =	vst v63  }
0x17: {  	_ =	swait.ge [sflag:s4], $0x8  }
0x18: {  	[sflag:s4] =	ssyncset.done $0x0  }
0x19: {  	[sflag:s4] =	ssyncadd.s32 $0xFFFFFFF8  }
0x1a: {  	v0 =	vld [tilespmem:$0x0];
	_ =	sdelay $0x4  }
0x1b: {  	(v2sf) =	vpush v0, $0x1  }
0x1c: {  	(v2sf) =	vpush v0, $0x0;
	_ =	sdelay $0x2  }
0x1d: {  	(v2sf) =	vpush v0, $0x2;
	_ =	sdelay $0x2  }
0x1e: {  	(v2sf) =	vpush v0, $0x3;
	_ =	sdelay $0x5  }
0x1f: {  	s17 =	sshll.u32 s1, $0x6  }
0x20: {  	s10 =	ssub.s32 $0x2, s10;
	s5 =	sor.u32 $0x1C01, s17;
	s6 =	simm.s32 $0x8  }
0x21: {  	s7 =	simm.s32 $0x80;
	s8 =	simm.s32 $0xF4280;
	s9 =	spop (v2sf)  }
0x22: {  	s11 =	rddreg [dreg:$0x4];
	s12 =	sshra.s32 s9, $0x1F;
	s13 =	spop (v2sf)  }
0x23: {  	s14 =	sand.u32 $0x7F, s9;
	p2 =	slt.s32 s9, $0x1;
	s15 =	sshra.s32 s13, $0x1F  }
0x24: {  	s16 =	sand.u32 $0x7F, s13;
	p0 =	slt.s32 s13, $0x1;
	p6 =	sne.s32 s14, $0x0  }
0x25: {  	s14 =	simm.s32 $0x1;
	s12 =	sshrl.u32 s12, $0x19;
	s18 =	spop (v2sf)  }
0x26: {  	s15 =	sshrl.u32 s15, $0x19;
	p1 =	sne.s32 s16, $0x0;
	s9 =	sadd.s32 s12, s9  }
0x27: {  	s19 =	sand.u32 $0x7F, s18;
	s16 =	simm.s32 $0x1;
	s20 =	sshra.s32 s18, $0x1F  }
0x28: {  	s21 =	spop (v2sf);
	s13 =	sadd.s32 s15, s13;
	p0 =	por !p0, !p1  }
0x29: {  	(v2sf) =	vpush v0, $0x4;
	p1 =	por !p2, !p6;
	s9 =	sshrl.u32 s9, $0x7;
	p2 =	slt.s32 s18, $0x1  }
0x2a: {  	s12 =	sshrl.u32 s20, $0x19;
	s22 =	sshra.s32 s21, $0x1F;
	s17 =	sand.u32 $0x7F, s21  }
0x2b: {  	(v2sf) =	vpush v0, $0x7;
	p3 =	slt.s32 s21, $0x1;
	s15 =	simm.s32 $0x1;
	p0 =	por !p0, !p0  }
0x2c: {  	(v2sf) =	vpush v0, $0x6;
	s13 =	sshrl.u32 s13, $0x7;
	s12 =	sadd.s32 s12, s18;
	p4 =	sne.s32 s17, $0x0  }
0x2d: {  	s14 =	simm.s32 @!p0 $0x0;
	p0 =	por !p1, !p1;
	p1 =	sne.s32 s19, $0x0  }
0x2e: {  	s12 =	sshrl.u32 s12, $0x7;
	s13 =	ssub.s32 s13, s14;
	s16 =	simm.s32 @!p0 $0x0  }
0x2f: {  	p0 =	por !p2, !p1;
	s9 =	ssub.s32 s9, s16;
	s13 =	sshll.u32 s13, $0x7  }
0x30: {  	s16 =	sshrl.u32 s22, $0x19;
	p0 =	por !p0, !p0;
	s13 =	sand.u32 $0x1FFFFF80, s13  }
0x31: {  	(v2sf) =	vpush v0, $0x5;
	s15 =	simm.s32 @!p0 $0x0;
	s9 =	sshll.u32 s9, $0x7;
	p0 =	por !p3, !p4  }
0x32: {  	s14 =	sadd.s32 s16, s21;
	s16 =	simm.s32 $0x1;
	s13 =	sadd.s32 s2, s13  }
0x33: {  	s23 =	ssub.s32 s12, s15;
	p0 =	por !p0, !p0;
	s12 =	simm.s32 $0x1  }
0x34: {  	[hbm:s11@s7], [sflag:s5] =	dma.strided [hbm:s13@s8], $0x400, s6, $0x10   }
0x35: {  	s9 =	sand.u32 $0x1FFFFF80, s9;
	s14 =	sshrl.u32 s14, $0x7;
	s12 =	simm.s32 @!p0 $0x0  }
0x36: {  	s15 =	simm.s32 $0x1;
	s11 =	sshll.u32 s23, $0x7;
	s12 =	ssub.s32 s14, s12  }
0x37: {  	s25 =	sadd.s32 s2, s9;
	s11 =	sand.u32 $0x1FFFFF80, s11;
	s12 =	sshll.u32 s12, $0x7  }
0x38: {  	s26 =	rddreg [dreg:$0x5];
	s12 =	sand.u32 $0x1FFFFF80, s12;
	s13 =	spop (v2sf)  }
0x39: {  	s11 =	sadd.s32 s2, s11;
	s12 =	sadd.s32 s2, s12;
	s24 =	sand.u32 $0x7F, s13  }
0x3a: {  	s9 =	spop (v2sf);
	p5 =	slt.s32 s13, $0x1;
	s28 =	sshra.s32 s13, $0x1F  }
0x3b: {  	p6 =	sne.s32 s24, $0x0;
	s29 =	spop (v2sf);
	s14 =	sshrl.u32 s28, $0x19  }
0x3c: {  	[hbm:s26@s7], [sflag:s5] =	dma.strided [hbm:s25@s8], $0x400, s6, $0x10   }
0x3d: {  	s24 =	sand.u32 $0x7F, s9;
	p0 =	por !p5, !p6;
	s13 =	sadd.s32 s14, s13  }
0x3e: {  	p3 =	slt.s32 s29, $0x1;
	s21 =	sshra.s32 s29, $0x1F;
	s22 =	sand.u32 $0x7F, s29  }
0x3f: {  	p5 =	slt.s32 s9, $0x1;
	p6 =	sne.s32 s24, $0x0;
	s26 =	sshra.s32 s9, $0x1F  }
0x40: {  	p0 =	por !p0, !p0;
	s17 =	rddreg [dreg:$0x6];
	s30 =	spop (v2sf)  }
0x41: {  	s13 =	sshrl.u32 s13, $0x7;
	s14 =	sshrl.u32 s21, $0x19;
	p4 =	sne.s32 s22, $0x0  }
0x42: {  	s16 =	simm.s32 @!p0 $0x0;
	s18 =	sand.u32 $0x7F, s30;
	s19 =	sshra.s32 s30, $0x1F  }
0x43: {  	[hbm:s17@s7], [sflag:s5] =	dma.strided [hbm:s11@s8], $0x400, s6, $0x10   }
0x44: {  	p1 =	slt.s32 s30, $0x1;
	s17 =	simm.s32 $0x1;
	s14 =	sadd.s32 s14, s29  }
0x45: {  	p2 =	sne.s32 s18, $0x0;
	s31 =	sshrl.u32 s19, $0x19;
	s19 =	ssub.s32 s13, s16  }
0x46: {  	s23 =	rddreg [dreg:$0x7];
	s14 =	sshrl.u32 s14, $0x7;
	p0 =	por !p1, !p2  }
0x47: {  	s20 =	sadd.s32 s31, s30;
	p1 =	por !p3, !p4;
	s11 =	sshll.u32 s19, $0x7  }
0x48: {  	[hbm:s23@s7], [sflag:s5] =	dma.strided [hbm:s12@s8], $0x400, s6, $0x10   }
0x49: {  	s31 =	sshrl.u32 s10, $0x1;
	p0 =	por !p0, !p0;
	s13 =	sshrl.u32 s20, $0x7  }
0x4a: {  	s11 =	sand.u32 $0x1FFFFF80, s11;
	s12 =	rddreg [dreg:$0x8];
	s17 =	simm.s32 @!p0 $0x0  }
0x4b: {  	p0 =	por !p1, !p1;
	s11 =	sadd.s32 s2, s11;
	s13 =	ssub.s32 s13, s17  }
0x4c: {  	[hbm:s12@s7], [sflag:s5] =	dma.strided [hbm:s11@s8], $0x400, s6, $0x10   }
0x4d: {  	s15 =	simm.s32 @!p0 $0x0;
	p0 =	por !p5, !p6;
	s13 =	sshll.u32 s13, $0x7  }
0x4e: {  	s14 =	ssub.s32 s14, s15;
	s11 =	rddreg [dreg:$0x9];
	s25 =	sand.u32 $0x1FFFFF80, s13  }
0x4f: {  	p0 =	por !p0, !p0;
	s13 =	sshrl.u32 s26, $0x19;
	s12 =	sadd.s32 s2, s25  }
0x50: {  	[hbm:s11@s7], [sflag:s5] =	dma.strided [hbm:s12@s8], $0x400, s6, $0x10   }
0x51: {  	s14 =	sshll.u32 s14, $0x7;
	s9 =	sadd.s32 s13, s9;
	s11 =	simm.s32 $0x1  }
0x52: {  	s28 =	sand.u32 $0x1FFFFF80, s14;
	s9 =	sshrl.u32 s9, $0x7;
	s11 =	simm.s32 @!p0 $0x0  }
0x53: {  	s29 =	sadd.s32 s2, s28;
	s12 =	rddreg [dreg:$0xa];
	s9 =	ssub.s32 s9, s11  }
0x54: {  	[hbm:s12@s7], [sflag:s5] =	dma.strided [hbm:s29@s8], $0x400, s6, $0x10   }
0x55: {  	s10 =	ssub.s32 s10, s31;
	s9 =	sshll.u32 s9, $0x7  }
0x56: {  	s10 =	smax.u32 s10, $0x1;
	s30 =	sand.u32 $0x1FFFFF80, s9  }
0x57: {  	s11 =	rddreg [dreg:$0xb];
	s9 =	simm.s32 $0x1;
	s12 =	sadd.s32 s2, s30  }
0x58: {  	[hbm:s11@s7], [sflag:s5] =	dma.strided [hbm:s12@s8], $0x400, s6, $0x10   }
0x59: {  	p0 =	sne.s32 s10, $0x1;
	_ =	swait.ge [sflag:s9], $0x400  }
.Ltmp1:
0x5a: {  	[sflag:s9] =	ssyncset.done $0x0;
	(pc) =	sbr.rel @!p0 .LBB2_3-.Ltmp1, $4  }
0x5b: {  	[sflag:s9] =	ssyncadd.s32 $0xFFFFFC00  }
0x5c: {  	_ =	swait.ge [sflag:s9], $0x400  }
0x5d: {  	[sflag:s9] =	ssyncset.done $0x0  }
0x5e: {  	s10 =	sadd.s32 $0xFFFFFFFF, s10;
	[sflag:s9] =	ssyncadd.s32 $0xFFFFFC00  }
.LBB2_2:
0x5f: {  	_ =	swait.ge [sflag:s9], $0x400  }
0x60: {  	[sflag:s9] =	ssyncset.done $0x0  }
0x61: {  	[sflag:s9] =	ssyncadd.s32 $0xFFFFFC00  }
0x62: {  	_ =	swait.ge [sflag:s9], $0x400  }
0x63: {  	[sflag:s9] =	ssyncset.done $0x0  }
0x64: {  	[sflag:s9] =	ssyncadd.s32 $0xFFFFFC00  }
0x65: {  	_ =	swait.ge [sflag:s9], $0x400  }
0x66: {  	[sflag:s9] =	ssyncset.done $0x0  }
0x67: {  	[sflag:s9] =	ssyncadd.s32 $0xFFFFFC00  }
0x68: {  	_ =	swait.ge [sflag:s9], $0x400  }
0x69: {  	[sflag:s9] =	ssyncset.done $0x0  }
0x6a: {  	[sflag:s9] =	ssyncadd.s32 $0xFFFFFC00  }
0x6b: {  	_ =	swait.ge [sflag:s9], $0x400  }
0x6c: {  	[sflag:s9] =	ssyncset.done $0x0  }
0x6d: {  	[sflag:s9] =	ssyncadd.s32 $0xFFFFFC00  }
0x6e: {  	_ =	swait.ge [sflag:s9], $0x400  }
0x6f: {  	[sflag:s9] =	ssyncset.done $0x0  }
0x70: {  	s11 =	rddreg [dreg:$0xc];
	[sflag:s9] =	ssyncadd.s32 $0xFFFFFC00  }
0x71: {  	[tilespmem:s3], [sflag:$0x2] =	stream.linear.gather [hbm4b:s11+s3], $0x8, $0x38;
	[tilespmem:$0x80] =	vst v63  }
0x72: {  	_ =	swait.ge [sflag:s4], $0x8  }
0x73: {  	[sflag:s4] =	ssyncset.done $0x0  }
0x74: {  	[sflag:s4] =	ssyncadd.s32 $0xFFFFFFF8  }
0x75: {  	v0 =	vld [tilespmem:$0x0];
	_ =	sdelay $0x4  }
0x76: {  	(v2sf) =	vpush v0, $0x1;
	_ =	sdelay $0x1  }
0x77: {  	(v2sf) =	vpush v0, $0x0;
	_ =	sdelay $0x2  }
0x78: {  	(v2sf) =	vpush v0, $0x2;
	_ =	sdelay $0x1  }
0x79: {  	(v2sf) =	vpush v0, $0x3;
	_ =	sdelay $0x7  }
0x7a: {  	s12 =	spop (v2sf)  }
0x7b: {  	s30 =	rddreg [dreg:$0x4];
	s13 =	sshra.s32 s12, $0x1F  }
0x7c: {  	s14 =	sand.u32 $0x7F, s12;
	s15 =	spop (v2sf);
	p1 =	slt.s32 s12, $0x1  }
0x7d: {  	s16 =	sshra.s32 s15, $0x1F;
	s17 =	sand.u32 $0x7F, s15;
	p2 =	slt.s32 s15, $0x1  }
0x7e: {  	p6 =	sne.s32 s14, $0x0;
	s13 =	sshrl.u32 s13, $0x19;
	s14 =	simm.s32 $0x1  }
0x7f: {  	s31 =	spop (v2sf);
	s16 =	sshrl.u32 s16, $0x19;
	p3 =	sne.s32 s17, $0x0  }
0x80: {  	p1 =	por !p1, !p6;
	s12 =	sadd.s32 s13, s12;
	s18 =	sand.u32 $0x7F, s31  }
0x81: {  	s19 =	sshra.s32 s31, $0x1F;
	p4 =	slt.s32 s31, $0x1;
	s20 =	spop (v2sf)  }
0x82: {  	(v2sf) =	vpush v0, $0x4;
	s15 =	sadd.s32 s16, s15;
	p2 =	por !p2, !p3;
	p1 =	por !p1, !p1  }
0x83: {  	p3 =	sne.s32 s18, $0x0;
	s12 =	sshrl.u32 s12, $0x7;
	s13 =	sshrl.u32 s19, $0x19  }
0x84: {  	(v2sf) =	vpush v0, $0x7;
	s21 =	sshra.s32 s20, $0x1F;
	s18 =	sand.u32 $0x7F, s20;
	p5 =	slt.s32 s20, $0x1  }
0x85: {  	(v2sf) =	vpush v0, $0x6;
	s16 =	simm.s32 $0x1;
	p2 =	por !p2, !p2;
	s15 =	sshrl.u32 s15, $0x7  }
0x86: {  	s17 =	sshrl.u32 s21, $0x19;
	s13 =	sadd.s32 s13, s31;
	s14 =	simm.s32 @!p2 $0x0  }
0x87: {  	p6 =	sne.s32 s18, $0x0;
	s14 =	ssub.s32 s15, s14;
	s15 =	simm.s32 $0x1  }
0x88: {  	s18 =	simm.s32 $0x1;
	s13 =	sshrl.u32 s13, $0x7;
	s15 =	simm.s32 @!p1 $0x0  }
0x89: {  	s14 =	sshll.u32 s14, $0x7;
	p1 =	por !p4, !p3;
	s12 =	ssub.s32 s12, s15  }
0x8a: {  	(v2sf) =	vpush v0, $0x5;
	s14 =	sand.u32 $0x1FFFFF80, s14;
	p1 =	por !p1, !p1;
	s15 =	sadd.s32 s17, s20  }
0x8b: {  	s16 =	simm.s32 @!p1 $0x0;
	s14 =	sadd.s32 s2, s14;
	s12 =	sshll.u32 s12, $0x7  }
0x8c: {  	[hbm:s30@s7], [sflag:s5] =	dma.strided [hbm:s14@s8], $0x400, s6, $0x10   }
0x8d: {  	p1 =	por !p5, !p6;
	s15 =	sshrl.u32 s15, $0x7;
	s22 =	ssub.s32 s13, s16  }
0x8e: {  	s12 =	sand.u32 $0x1FFFFF80, s12;
	p1 =	por !p1, !p1;
	s16 =	simm.s32 $0x1  }
0x8f: {  	s11 =	sshll.u32 s22, $0x7;
	s16 =	simm.s32 @!p1 $0x0;
	s12 =	sadd.s32 s2, s12  }
0x90: {  	s25 =	rddreg [dreg:$0x5];
	s23 =	sand.u32 $0x1FFFFF80, s11;
	s15 =	ssub.s32 s15, s16  }
0x91: {  	s16 =	simm.s32 $0x1;
	s15 =	sshll.u32 s15, $0x7;
	s14 =	spop (v2sf)  }
0x92: {  	s13 =	sadd.s32 s2, s23;
	s30 =	sand.u32 $0x1FFFFF80, s15;
	s24 =	sand.u32 $0x7F, s14  }
0x93: {  	s11 =	spop (v2sf);
	p3 =	slt.s32 s14, $0x1;
	s26 =	sshra.s32 s14, $0x1F  }
0x94: {  	p4 =	sne.s32 s24, $0x0;
	s28 =	spop (v2sf);
	s29 =	sshrl.u32 s26, $0x19  }
0x95: {  	[hbm:s25@s7], [sflag:s5] =	dma.strided [hbm:s12@s8], $0x400, s6, $0x10   }
0x96: {  	p1 =	por !p3, !p4;
	s12 =	sadd.s32 s29, s14;
	s14 =	sadd.s32 s2, s30  }
0x97: {  	p3 =	slt.s32 s28, $0x1;
	s23 =	sshra.s32 s28, $0x1F;
	s24 =	sand.u32 $0x7F, s28  }
0x98: {  	s29 =	sand.u32 $0x7F, s11;
	s30 =	sshra.s32 s11, $0x1F;
	p1 =	por !p1, !p1  }
0x99: {  	s17 =	rddreg [dreg:$0x6];
	s31 =	spop (v2sf);
	s12 =	sshrl.u32 s12, $0x7  }
0x9a: {  	s15 =	sshrl.u32 s23, $0x19;
	p4 =	sne.s32 s24, $0x0;
	s16 =	simm.s32 @!p1 $0x0  }
0x9b: {  	s19 =	sand.u32 $0x7F, s31;
	s20 =	sshra.s32 s31, $0x1F;
	p5 =	slt.s32 s31, $0x1  }
0x9c: {  	[hbm:s17@s7], [sflag:s5] =	dma.strided [hbm:s13@s8], $0x400, s6, $0x10   }
0x9d: {  	s15 =	sadd.s32 s15, s28;
	p2 =	por !p3, !p4;
	s17 =	simm.s32 $0x1  }
0x9e: {  	p6 =	sne.s32 s19, $0x0;
	s21 =	sshrl.u32 s20, $0x19;
	s12 =	ssub.s32 s12, s16  }
0x9f: {  	s25 =	rddreg [dreg:$0x7];
	s15 =	sshrl.u32 s15, $0x7;
	p1 =	por !p5, !p6  }
0xa0: {  	[hbm:s25@s7], [sflag:s5] =	dma.strided [hbm:s14@s8], $0x400, s6, $0x10   }
0xa1: {  	s22 =	sadd.s32 s21, s31;
	s12 =	sshll.u32 s12, $0x7;
	p5 =	slt.s32 s11, $0x1  }
0xa2: {  	p6 =	sne.s32 s29, $0x0;
	p1 =	por !p1, !p1;
	s13 =	sshrl.u32 s22, $0x7  }
0xa3: {  	s12 =	sand.u32 $0x1FFFFF80, s12;
	s28 =	rddreg [dreg:$0x8];
	s17 =	simm.s32 @!p1 $0x0  }
0xa4: {  	p1 =	por !p2, !p2;
	s12 =	sadd.s32 s2, s12;
	s13 =	ssub.s32 s13, s17  }
0xa5: {  	[hbm:s28@s7], [sflag:s5] =	dma.strided [hbm:s12@s8], $0x400, s6, $0x10   }
0xa6: {  	s18 =	simm.s32 @!p1 $0x0;
	p1 =	por !p5, !p6;
	s13 =	sshll.u32 s13, $0x7  }
0xa7: {  	s26 =	ssub.s32 s15, s18;
	s12 =	rddreg [dreg:$0x9];
	s13 =	sand.u32 $0x1FFFFF80, s13  }
0xa8: {  	s15 =	sshrl.u32 s30, $0x19;
	p1 =	por !p1, !p1;
	s13 =	sadd.s32 s2, s13  }
0xa9: {  	[hbm:s12@s7], [sflag:s5] =	dma.strided [hbm:s13@s8], $0x400, s6, $0x10   }
0xaa: {  	s14 =	sshll.u32 s26, $0x7;
	s11 =	sadd.s32 s15, s11;
	s12 =	simm.s32 $0x1  }
0xab: {  	s14 =	sand.u32 $0x1FFFFF80, s14;
	s11 =	sshrl.u32 s11, $0x7;
	s12 =	simm.s32 @!p1 $0x0  }
0xac: {  	s31 =	sadd.s32 s2, s14;
	s13 =	rddreg [dreg:$0xa];
	s11 =	ssub.s32 s11, s12  }
0xad: {  	[hbm:s13@s7], [sflag:s5] =	dma.strided [hbm:s31@s8], $0x400, s6, $0x10   }
0xae: {  	s11 =	sshll.u32 s11, $0x7  }
0xaf: {  	s11 =	sand.u32 $0x1FFFFF80, s11  }
0xb0: {  	s12 =	rddreg [dreg:$0xb];
	s11 =	sadd.s32 s2, s11  }
0xb1: {  	[hbm:s12@s7], [sflag:s5] =	dma.strided [hbm:s11@s8], $0x400, s6, $0x10   }
0xb2: {  	p0 =	sne.s32 s10, $0x1;
	_ =	swait.ge [sflag:s9], $0x400  }
.Ltmp2:
0xb3: {  	[sflag:s9] =	ssyncset.done $0x0;
	(pc) =	sbr.rel @p0 .LBB2_2-.Ltmp2, $4  }
0xb4: {  	[sflag:s9] =	ssyncadd.s32 $0xFFFFFC00  }
0xb5: {  	_ =	swait.ge [sflag:s9], $0x400  }
0xb6: {  	[sflag:s9] =	ssyncset.done $0x0  }
0xb7: {  	s10 =	sadd.s32 $0xFFFFFFFF, s10;
	[sflag:s9] =	ssyncadd.s32 $0xFFFFFC00  }
.LBB2_3:
0xb8: {  	_ =	swait.ge [sflag:s9], $0x400  }
0xb9: {  	[sflag:s9] =	ssyncset.done $0x0  }
0xba: {  	[sflag:s9] =	ssyncadd.s32 $0xFFFFFC00  }
0xbb: {  	_ =	swait.ge [sflag:s9], $0x400  }
0xbc: {  	[sflag:s9] =	ssyncset.done $0x0  }
0xbd: {  	[sflag:s9] =	ssyncadd.s32 $0xFFFFFC00  }
0xbe: {  	_ =	swait.ge [sflag:s9], $0x400  }
0xbf: {  	[sflag:s9] =	ssyncset.done $0x0  }
0xc0: {  	[sflag:s9] =	ssyncadd.s32 $0xFFFFFC00  }
0xc1: {  	_ =	swait.ge [sflag:s9], $0x400  }
0xc2: {  	[sflag:s9] =	ssyncset.done $0x0  }
0xc3: {  	[sflag:s9] =	ssyncadd.s32 $0xFFFFFC00  }
0xc4: {  	_ =	swait.ge [sflag:s9], $0x400  }
0xc5: {  	[sflag:s9] =	ssyncset.done $0x0  }
0xc6: {  	[sflag:s9] =	ssyncadd.s32 $0xFFFFFC00  }
0xc7: {  	_ =	swait.ge [sflag:s9], $0x400  }
0xc8: {  	[sflag:s9] =	ssyncset.done $0x0  }
0xc9: {  	[sflag:s9] =	ssyncadd.s32 $0xFFFFFC00  }
.LBB2_4:
0xca: {  	_ =	sfence.sel $0x180000  }
0xcb: {  	[bflag:$0x0] =	sbarrier.arrive $0xFFFF  }
0xcc: {  	p0 =	sne.s32 s1, $0x0;
	_ =	strace $0x90000047  }
0xcd: {  	s0 =	sadd.s32 @!p0 $0x100000, s0;
	[bflag:$0x2] =	sbarrier.arrive $0xFFFF  }
0xce: {  	[sflag:s0] =	ssyncadd.tile.s32 @!p0 $0x1;
	_ =	shalt  }
.Lfunc_end2:
_tile_overlayer_lowered:
.L_overlay_start_2:
0xcf: {  	(tag) =	ssettag $0x2  }
0xd0: {  	s0 =	rddreg [dreg:$0x0];
	s2 =	stileid.u32  }
0xd1: {  	s1 =	rddreg [dreg:$0x1];
	p0 =	sne.s32 s2, $0x0  }
0xd2: {  	s3 =	rddreg [dreg:$0x2];
	[bflag:$0x3] =	sbarrier.arrive $0xFFFF;
	s2 =	simm.s32 @!p0 $0x1C02  }
0xd3: {  	[timem:s3], [sflag:s2] =	dma.local @!p0 [hbm:s0], s1  }
0xd4: {  	s0 =	simm.s32 @!p0 $0x2  }
0xd5: {  	_ =	swait.ge @!p0 [sflag:s0], s1  }
0xd6: {  	s1 =	ssub.s32 @!p0 $0x0, s1;
	[sflag:s0] =	ssyncset.done @!p0 $0x0  }
0xd7: {  	[sflag:s0] =	ssyncadd.s32 @!p0 s1  }
0xd8: {  	[bflag:$0x3] =	sbarrier.arrive $0xFFFF  }
0xd9: {  	_ =	shalt  }

</sc_bundles>
